<compile_context>
chip_gen: v7x
topology: tpu7x:2x2x1
jax: 0.10.2.dev20260603
libtpu: 0.0.44.dev20260713+nightly
codegen_flags: <defaults>
</compile_context>

<pallas_src>
import dataclasses
import functools

import jax
import jax.numpy as jnp
from jax import lax
from jax.experimental import pallas as pl
from jax.experimental.pallas import tpu as pltpu
from jax.experimental.pallas import tpu_sc as plsc

_N = 8192
_K = 4096
_ROWS = 128
_NC = 2
_NS = 16
_NW = _NC * _NS
_RPW = _ROWS // _NW


def kernel(x):
    mesh = plsc.VectorSubcoreMesh(core_axis_name="c", subcore_axis_name="s")
    cp = pltpu.CompilerParams()
    if "needs_layout_passes" in pltpu.CompilerParams.__dataclass_fields__:
        cp = dataclasses.replace(cp, needs_layout_passes=False)

    @functools.partial(
        pl.kernel,
        mesh=mesh,
        compiler_params=cp,
        out_type=jax.ShapeDtypeStruct((_ROWS, _N), jnp.float32),
        scratch_types=[
            pltpu.VMEM((_RPW, _N), jnp.float32),
            pltpu.VMEM((_RPW, _N), jnp.int32),
            pltpu.SemaphoreType.DMA,
        ],
    )
    def sc_kernel(x_hbm, o_hbm, xv, kv, sem):
        int_max = jnp.int32(2**31 - 1)
        int_min = jnp.int32(-(2**31))
        kf = jnp.float32(_K)

        wid = lax.axis_index("s") * _NC + lax.axis_index("c")
        base = wid * _RPW
        pltpu.async_copy(x_hbm.at[pl.ds(base, _RPW)], xv, sem).wait()

        @pl.loop(0, _RPW)
        def _(r):
            @pl.loop(0, _N, step=16)
            def _(c):
                xs = xv[r, pl.ds(c, 16)] + 0.0
                b = lax.bitcast_convert_type(xs, jnp.int32)
                kv[r, pl.ds(c, 16)] = jnp.where(b >= 0, b, int_max - b)

        def count_ge(r, cand):
            def cbody(c, acc):
                ks = kv[r, pl.ds(c * 16, 16)]
                return acc + jnp.where(ks >= cand,
                                       jnp.float32(1.0), jnp.float32(0.0))
            acc = lax.fori_loop(0, _N // 16, cbody,
                                jnp.zeros((16,), jnp.float32))
            return jnp.sum(acc)

        @pl.loop(0, _RPW)
        def _(r):
            cnt_pos = count_ge(r, jnp.int32(0))
            pos = cnt_pos >= kf
            prefix0 = jnp.where(pos, jnp.int32(0), int_min)
            cntp0 = jnp.where(pos, cnt_pos, jnp.float32(_N))

            def cond(st):
                return jnp.logical_and(st[0] < 31, st[2] > kf)

            def body(st):
                i, p, cp = st
                bit = jnp.left_shift(jnp.int32(1), jnp.int32(30) - i)
                cand = p + bit
                cnt = count_ge(r, cand)
                take = cnt >= kf
                return (i + jnp.int32(1),
                        jnp.where(take, cand, p),
                        jnp.where(take, cnt, cp))

            _, p, _ = lax.while_loop(
                cond, body, (jnp.int32(0), prefix0, cntp0))

            @pl.loop(0, _N, step=16)
            def _(c):
                ks = kv[r, pl.ds(c, 16)]
                xs = xv[r, pl.ds(c, 16)]
                xv[r, pl.ds(c, 16)] = jnp.where(
                    ks >= p, xs, jnp.float32(0.0))

        pltpu.async_copy(xv, o_hbm.at[pl.ds(base, _RPW)], sem).wait()

    return sc_kernel(x)

# --- scband reference (transcript-rebuilt; emitter-appended) ---
"""Pipeline reference for scband-spatial-differentiate-dropout-35107062677555 (READ-ONLY COPY).

The authoritative reference and input builder live on the scoring server;
editing this copy changes nothing except your own understanding.
"""

import jax, jax.numpy as jnp
import numpy as np

Q = 0.5
LARGEST = True
DIM = 1


def setup_inputs(seed: int = 0) -> dict:
    key = jax.random.key(seed)
    x = jax.random.normal(key, (128, 8192), dtype=jnp.float32)
    return {"x": x}


def reference(x):
    # SpatialDifferentiateDropout forward: keep top-K (largest=True) elements
    # along dim=1, zero out the rest.
    num_elements = x.shape[DIM]
    K = int(num_elements * Q)
    if K <= 0:
        return jnp.zeros_like(x)
    # dim=1 is the last axis for this 2D input, so lax.top_k applies directly.
    topk_vals, _ = jax.lax.top_k(x, K)
    if LARGEST:
        boundary_vals = jnp.min(topk_vals, axis=DIM, keepdims=True)
        mask = x >= boundary_vals
    else:
        boundary_vals = jnp.max(topk_vals, axis=DIM, keepdims=True)
        mask = x <= boundary_vals
    out = x * mask.astype(x.dtype)
    return out

if __name__ == "__main__":
    import jax
    _d = setup_inputs()
    print(jax.jit(kernel)(*tuple(_d.values())))

</pallas_src>

<mosaic_0001>
#map = affine_map<(d0, d1) -> (0, 0)>
module attributes {stable_mosaic.version = 14 : i64} {
  func.func @sc_kernel(%arg0: i32, %arg1: i32, %arg2: memref<128x8192xf32, #tpu.memory_space<hbm>>, %arg3: memref<128x8192xf32, #tpu.memory_space<hbm>>, %arg4: memref<4x8192xf32, #tpu.memory_space<vmem>>, %arg5: memref<4x8192xi32, #tpu.memory_space<vmem>>, %arg6: memref<!tpu.dma_semaphore, #tpu.memory_space<semaphore_mem>>) attributes {dimension_semantics = [#tpu.dimension_semantics<core_parallel>, #tpu.dimension_semantics<subcore_parallel>], iteration_bounds = array<i64: 2, 16>, scalar_prefetch = 0 : i64, scratch_operands = 3 : i64, tpu.core_type = #tpu.core_type<sc_vector_subcore>, window_params = [{transform_indices = #map}, {transform_indices = #map}]} {
    %mul3A = arith.constant 2 : i32
    %mul3A_0 = arith.muli %arg1, %mul3A : i32
    %add3A = arith.addi %mul3A_0, %arg0 : i32
    %mul3A_1 = arith.constant 4 : i32
    %mul3A_2 = arith.muli %add3A, %mul3A_1 : i32
    %dma_start3A = arith.constant 0 : i32
    %dma_start3A_3 = tpu.memref_slice %arg2[%mul3A_2, %dma_start3A] : memref<128x8192xf32, #tpu.memory_space<hbm>> -> memref<4x8192xf32, #tpu.memory_space<hbm>>
    %dma_start3A_4 = arith.constant 0 : i32
    %dma_start3A_5 = tpu.memref_slice %arg2[%mul3A_2, %dma_start3A_4] : memref<128x8192xf32, #tpu.memory_space<hbm>> -> memref<4x8192xf32, #tpu.memory_space<hbm>>
    tpu.enqueue_dma source(%dma_start3A_5 : memref<4x8192xf32, #tpu.memory_space<hbm>>) target(%arg4 : memref<4x8192xf32, #tpu.memory_space<vmem>>) target_semaphore(%arg6 : memref<!tpu.dma_semaphore, #tpu.memory_space<semaphore_mem>>)
    %dma_wait3A = arith.constant 0 : i32
    %dma_wait3A_6 = tpu.memref_slice %arg2[%mul3A_2, %dma_wait3A] : memref<128x8192xf32, #tpu.memory_space<hbm>> -> memref<4x8192xf32, #tpu.memory_space<hbm>>
    %dma_wait3A_7 = arith.constant 0 : i32
    %dma_wait3A_8 = tpu.memref_slice %arg2[%mul3A_2, %dma_wait3A_7] : memref<128x8192xf32, #tpu.memory_space<hbm>> -> memref<4x8192xf32, #tpu.memory_space<hbm>>
    tpu.wait_dma2 semaphore(%arg6 : memref<!tpu.dma_semaphore, #tpu.memory_space<semaphore_mem>>) src(%dma_wait3A_8 : memref<4x8192xf32, #tpu.memory_space<hbm>>) dst(%arg4 : memref<4x8192xf32, #tpu.memory_space<vmem>>)
    %scan3A = arith.constant 2147483647 : i32
    %scan3A_9 = arith.constant 0 : i32
    %scan3A_10 = arith.constant 4 : i32
    %scan3A_11 = arith.addi %scan3A_9, %scan3A_10 : i32
    %scan3A_12 = arith.constant 1 : i32
    scf.for %scan3A_29 = %scan3A_9 to %scan3A_11 step %scan3A_12  : i32 {
      %mul3A_30 = arith.constant 1 : i32
      %mul3A_31 = arith.muli %scan3A_29, %mul3A_30 : i32
      %add3A_32 = arith.constant 0 : i32
      %add3A_33 = arith.addi %add3A_32, %mul3A_31 : i32
      %scan3A_34 = arith.constant 0 : i32
      %scan3A_35 = arith.constant 512 : i32
      %scan3A_36 = arith.addi %scan3A_34, %scan3A_35 : i32
      %scan3A_37 = arith.constant 1 : i32
      scf.for %scan3A_39 = %scan3A_34 to %scan3A_36 step %scan3A_37  : i32 {
        %mul3A_40 = arith.constant 16 : i32
        %mul3A_41 = arith.muli %scan3A_39, %mul3A_40 : i32
        %add3A_42 = arith.constant 0 : i32
        %add3A_43 = arith.addi %add3A_42, %mul3A_41 : i32
        %get3A = arith.index_cast %add3A_33 : i32 to index
        %get3A_44 = arith.index_cast %add3A_43 : i32 to index
        %get3A_45 = tpu.vector_load %arg4[%get3A, %get3A_44] {strides = array<i32>} : memref<4x8192xf32, #tpu.memory_space<vmem>>, vector<16xf32>,
        %add3A_46 = arith.constant 0.000000e+00 : f32
        %add3A_47 = vector.broadcast %add3A_46 : f32 to vector<16xf32>
        %add3A_48 = arith.addf %get3A_45, %add3A_47 : vector<16xf32>
        %bitcast_convert_type3A = tpu.bitcast %add3A_48 : vector<16xf32> -> vector<16xi32>
        %ge3A = arith.constant 0 : i32
        %ge3A_49 = vector.broadcast %ge3A : i32 to vector<16xi32>
        %ge3A_50 = arith.cmpi sge, %bitcast_convert_type3A, %ge3A_49 : vector<16xi32>
        %sub3A = vector.broadcast %scan3A : i32 to vector<16xi32>
        %sub3A_51 = arith.subi %sub3A, %bitcast_convert_type3A : vector<16xi32>
        %select_n3A = arith.select %ge3A_50, %bitcast_convert_type3A, %sub3A_51 : vector<16xi1>, vector<16xi32>
        %swap3A = arith.index_cast %add3A_33 : i32 to index
        %swap3A_52 = arith.index_cast %add3A_43 : i32 to index
        %swap3A_53 = tpu.vector_load %arg5[%swap3A, %swap3A_52] {strides = array<i32>} : memref<4x8192xi32, #tpu.memory_space<vmem>>, vector<16xi32>,
        tpu.vector_store %arg5[%swap3A, %swap3A_52], %select_n3A {strides = array<i32>} : memref<4x8192xi32, #tpu.memory_space<vmem>>, vector<16xi32>,
      }
      %scan3A_38 = arith.constant 512 : i32
    }
    %scan3A_13 = arith.constant 4 : i32
    %scan3A_14 = arith.constant 4.096000e+03 : f32
    %scan3A_15 = arith.constant -2147483648 : i32
    %scan3A_16 = arith.constant 0 : i32
    %scan3A_17 = arith.constant 4 : i32
    %scan3A_18 = arith.addi %scan3A_16, %scan3A_17 : i32
    %scan3A_19 = arith.constant 1 : i32
    scf.for %scan3A_29 = %scan3A_16 to %scan3A_18 step %scan3A_19  : i32 {
      %mul3A_30 = arith.constant 1 : i32
      %mul3A_31 = arith.muli %scan3A_29, %mul3A_30 : i32
      %add3A_32 = arith.constant 0 : i32
      %add3A_33 = arith.addi %add3A_32, %mul3A_31 : i32
      %broadcast_in_dim3A = arith.constant 0.000000e+00 : f32
      %broadcast_in_dim3A_34 = vector.broadcast %broadcast_in_dim3A : f32 to vector<16xf32>
      %scan3A_35 = arith.constant 0 : i32
      %scan3A_36 = arith.constant 0 : i32
      %scan3A_37 = arith.constant 512 : i32
      %scan3A_38 = arith.addi %scan3A_36, %scan3A_37 : i32
      %scan3A_39 = arith.constant 1 : i32
      %scan3A_40 = scf.for %scan3A_53 = %scan3A_36 to %scan3A_38 step %scan3A_39 iter_args(%scan3A_54 = %broadcast_in_dim3A_34) -> (vector<16xf32>)  : i32 {
        %mul3A_55 = arith.constant 16 : i32
        %mul3A_56 = arith.muli %scan3A_53, %mul3A_55 : i32
        %get3A = arith.index_cast %add3A_33 : i32 to index
        %get3A_57 = arith.index_cast %mul3A_56 : i32 to index
        %get3A_58 = tpu.vector_load %arg5[%get3A, %get3A_57] {strides = array<i32>} : memref<4x8192xi32, #tpu.memory_space<vmem>>, vector<16xi32>,
        %ge3A_59 = vector.broadcast %scan3A_35 : i32 to vector<16xi32>
        %ge3A_60 = arith.cmpi sge, %get3A_58, %ge3A_59 : vector<16xi32>
        %jit3A_61 = arith.constant 1.000000e+00 : f32
        %jit3A_62 = arith.constant 0.000000e+00 : f32
        %broadcast_in_dim3A_63 = vector.broadcast %jit3A_61 : f32 to vector<16xf32>
        %broadcast_in_dim3A_64 = vector.broadcast %jit3A_62 : f32 to vector<16xf32>
        %select_n3A_65 = arith.select %ge3A_60, %broadcast_in_dim3A_63, %broadcast_in_dim3A_64 : vector<16xi1>, vector<16xf32>
        %add3A_66 = arith.addf %scan3A_54, %select_n3A_65 : vector<16xf32>
        scf.yield %add3A_66 : vector<16xf32>
      }
      %scan3A_41 = arith.constant 512 : i32
      %reduce_sum3A = arith.constant true
      %reduce_sum3A_42 = vector.broadcast %reduce_sum3A : i1 to vector<16xi1>
      %reduce_sum3A_43 = tpu.scan <sum>, %scan3A_40 masked %reduce_sum3A_42 : vector<16xf32>, vector<16xi1> -> vector<16xf32>
      %reduce_sum3A_44 = vector.extract %reduce_sum3A_43[15] : f32 from vector<16xf32>
      %ge3A = arith.cmpf oge, %reduce_sum3A_44, %scan3A_14 : f32
      %jit3A = arith.constant 0 : i32
      %select_n3A = arith.select %ge3A, %jit3A, %scan3A_15 : i32
      %jit3A_45 = arith.constant 8.192000e+03 : f32
      %select_n3A_46 = arith.select %ge3A, %reduce_sum3A_44, %jit3A_45 : f32
      %while3A = arith.constant 0 : i32
      %while3A_47:3 = scf.while (%while3A_53 = %while3A, %while3A_54 = %select_n3A, %while3A_55 = %select_n3A_46) : (i32, i32, f32) -> (i32, i32, f32) {
        %lt3A = arith.constant 31 : i32
        %lt3A_56 = arith.cmpi slt, %while3A_53, %lt3A : i32
        %gt3A = arith.cmpf ogt, %while3A_55, %scan3A_14 : f32
        %and3A = arith.andi %lt3A_56, %gt3A : i1
        scf.condition(%and3A) %while3A_53, %while3A_54, %while3A_55 : i32, i32, f32
      } do {
      ^bb0(%while3A_53: i32, %while3A_54: i32, %while3A_55: f32):
        %sub3A = arith.constant 30 : i32
        %sub3A_56 = arith.subi %sub3A, %while3A_53 : i32
        %shift_left3A = arith.constant 1 : i32
        %shift_left3A_57 = arith.shli %shift_left3A, %sub3A_56 : i32
        %add3A_58 = arith.addi %while3A_54, %shift_left3A_57 : i32
        %broadcast_in_dim3A_59 = arith.constant 0.000000e+00 : f32
        %broadcast_in_dim3A_60 = vector.broadcast %broadcast_in_dim3A_59 : f32 to vector<16xf32>
        %scan3A_61 = arith.constant 0 : i32
        %scan3A_62 = arith.constant 512 : i32
        %scan3A_63 = arith.addi %scan3A_61, %scan3A_62 : i32
        %scan3A_64 = arith.constant 1 : i32
        %scan3A_65 = scf.for %scan3A_76 = %scan3A_61 to %scan3A_63 step %scan3A_64 iter_args(%scan3A_77 = %broadcast_in_dim3A_60) -> (vector<16xf32>)  : i32 {
          %mul3A_78 = arith.constant 16 : i32
          %mul3A_79 = arith.muli %scan3A_76, %mul3A_78 : i32
          %get3A = arith.index_cast %add3A_33 : i32 to index
          %get3A_80 = arith.index_cast %mul3A_79 : i32 to index
          %get3A_81 = tpu.vector_load %arg5[%get3A, %get3A_80] {strides = array<i32>} : memref<4x8192xi32, #tpu.memory_space<vmem>>, vector<16xi32>,
          %ge3A_82 = vector.broadcast %add3A_58 : i32 to vector<16xi32>
          %ge3A_83 = arith.cmpi sge, %get3A_81, %ge3A_82 : vector<16xi32>
          %jit3A_84 = arith.constant 1.000000e+00 : f32
          %jit3A_85 = arith.constant 0.000000e+00 : f32
          %broadcast_in_dim3A_86 = vector.broadcast %jit3A_84 : f32 to vector<16xf32>
          %broadcast_in_dim3A_87 = vector.broadcast %jit3A_85 : f32 to vector<16xf32>
          %select_n3A_88 = arith.select %ge3A_83, %broadcast_in_dim3A_86, %broadcast_in_dim3A_87 : vector<16xi1>, vector<16xf32>
          %add3A_89 = arith.addf %scan3A_77, %select_n3A_88 : vector<16xf32>
          scf.yield %add3A_89 : vector<16xf32>
        }
        %scan3A_66 = arith.constant 512 : i32
        %reduce_sum3A_67 = arith.constant true
        %reduce_sum3A_68 = vector.broadcast %reduce_sum3A_67 : i1 to vector<16xi1>
        %reduce_sum3A_69 = tpu.scan <sum>, %scan3A_65 masked %reduce_sum3A_68 : vector<16xf32>, vector<16xi1> -> vector<16xf32>
        %reduce_sum3A_70 = vector.extract %reduce_sum3A_69[15] : f32 from vector<16xf32>
        %ge3A_71 = arith.cmpf oge, %reduce_sum3A_70, %scan3A_14 : f32
        %add3A_72 = arith.constant 1 : i32
        %add3A_73 = arith.addi %while3A_53, %add3A_72 : i32
        %select_n3A_74 = arith.select %ge3A_71, %add3A_58, %while3A_54 : i32
        %select_n3A_75 = arith.select %ge3A_71, %reduce_sum3A_70, %while3A_55 : f32
        scf.yield %add3A_73, %select_n3A_74, %select_n3A_75 : i32, i32, f32
      }
      %scan3A_48 = arith.constant 0 : i32
      %scan3A_49 = arith.constant 512 : i32
      %scan3A_50 = arith.addi %scan3A_48, %scan3A_49 : i32
      %scan3A_51 = arith.constant 1 : i32
      scf.for %scan3A_53 = %scan3A_48 to %scan3A_50 step %scan3A_51  : i32 {
        %mul3A_54 = arith.constant 16 : i32
        %mul3A_55 = arith.muli %scan3A_53, %mul3A_54 : i32
        %add3A_56 = arith.constant 0 : i32
        %add3A_57 = arith.addi %add3A_56, %mul3A_55 : i32
        %get3A = arith.index_cast %add3A_33 : i32 to index
        %get3A_58 = arith.index_cast %add3A_57 : i32 to index
        %get3A_59 = tpu.vector_load %arg5[%get3A, %get3A_58] {strides = array<i32>} : memref<4x8192xi32, #tpu.memory_space<vmem>>, vector<16xi32>,
        %get3A_60 = arith.index_cast %add3A_33 : i32 to index
        %get3A_61 = arith.index_cast %add3A_57 : i32 to index
        %get3A_62 = tpu.vector_load %arg4[%get3A_60, %get3A_61] {strides = array<i32>} : memref<4x8192xf32, #tpu.memory_space<vmem>>, vector<16xf32>,
        %ge3A_63 = vector.broadcast %while3A_47#1 : i32 to vector<16xi32>
        %ge3A_64 = arith.cmpi sge, %get3A_59, %ge3A_63 : vector<16xi32>
        %jit3A_65 = arith.constant 0.000000e+00 : f32
        %broadcast_in_dim3A_66 = vector.broadcast %jit3A_65 : f32 to vector<16xf32>
        %select_n3A_67 = arith.select %ge3A_64, %get3A_62, %broadcast_in_dim3A_66 : vector<16xi1>, vector<16xf32>
        %swap3A = arith.index_cast %add3A_33 : i32 to index
        %swap3A_68 = arith.index_cast %add3A_57 : i32 to index
        %swap3A_69 = tpu.vector_load %arg4[%swap3A, %swap3A_68] {strides = array<i32>} : memref<4x8192xf32, #tpu.memory_space<vmem>>, vector<16xf32>,
        tpu.vector_store %arg4[%swap3A, %swap3A_68], %select_n3A_67 {strides = array<i32>} : memref<4x8192xf32, #tpu.memory_space<vmem>>, vector<16xf32>,
      }
      %scan3A_52 = arith.constant 512 : i32
    }
    %scan3A_20 = arith.constant 4 : i32
    %dma_start3A_21 = arith.constant 0 : i32
    %dma_start3A_22 = tpu.memref_slice %arg3[%mul3A_2, %dma_start3A_21] : memref<128x8192xf32, #tpu.memory_space<hbm>> -> memref<4x8192xf32, #tpu.memory_space<hbm>>
    %dma_start3A_23 = arith.constant 0 : i32
    %dma_start3A_24 = tpu.memref_slice %arg3[%mul3A_2, %dma_start3A_23] : memref<128x8192xf32, #tpu.memory_space<hbm>> -> memref<4x8192xf32, #tpu.memory_space<hbm>>
    tpu.enqueue_dma source(%arg4 : memref<4x8192xf32, #tpu.memory_space<vmem>>) target(%dma_start3A_24 : memref<4x8192xf32, #tpu.memory_space<hbm>>) target_semaphore(%arg6 : memref<!tpu.dma_semaphore, #tpu.memory_space<semaphore_mem>>)
    %dma_wait3A_25 = arith.constant 0 : i32
    %dma_wait3A_26 = tpu.memref_slice %arg3[%mul3A_2, %dma_wait3A_25] : memref<128x8192xf32, #tpu.memory_space<hbm>> -> memref<4x8192xf32, #tpu.memory_space<hbm>>
    %dma_wait3A_27 = arith.constant 0 : i32
    %dma_wait3A_28 = tpu.memref_slice %arg3[%mul3A_2, %dma_wait3A_27] : memref<128x8192xf32, #tpu.memory_space<hbm>> -> memref<4x8192xf32, #tpu.memory_space<hbm>>
    tpu.wait_dma2 semaphore(%arg6 : memref<!tpu.dma_semaphore, #tpu.memory_space<semaphore_mem>>) src(%arg4 : memref<4x8192xf32, #tpu.memory_space<vmem>>) dst(%dma_wait3A_28 : memref<4x8192xf32, #tpu.memory_space<hbm>>)
    return
  }
}

</mosaic_0001>

<sc_bundles>
// kernel: kernel.3.cloned.1.call-start
scs
__scs_entry_jumppad:
0x0: {  	(pc) =	sbr.rel $0x88, $3  }
0x1: {  	(tag) =	ssettag $0x0;
	lr =	simm.s32 $0x1  }
0x2: {  	[smem:$0x3FA0] =	sst lr;
	_ =	strace $0xD0000000  }
0x3: {  	_ = 	snop  }
0x4: {  	_ = 	snop  }
0x5: {  	_ = 	snop  }
0x6: {  	_ = 	snop  }
0x7: {  	_ = 	snop  }
__scs_overlays_trampoline_lowered:
0x8: {  	[smem:$0x3FAF] =	sst s0  }
0x9: {  	[smem:$0x3FB0] =	sst s1  }
0xa: {  	[smem:$0x3FB1] =	sst s2  }
0xb: {  	[smem:$0x3FB2] =	sst s3  }
0xc: {  	[smem:$0x3FB3] =	sst s4  }
0xd: {  	[smem:$0x3FB4] =	sst s5  }
0xe: {  	[smem:$0x3FB5] =	sst s6  }
0xf: {  	[smem:$0x3FB6] =	sst s7  }
0x10: {  	[smem:$0x3FB7] =	sst s8  }
0x11: {  	[smem:$0x3FB8] =	sst s9;
	s0 =	simm.s32 @!p0 $0x0  }
0x12: {  	s1 =	sld [smem:$0x3F9E];
	s0 =	simm.s32 @p0 $0x1  }
0x13: {  	[smem:$0x3FB9] =	sst s0;
	s0 =	simm.s32 @!p1 $0x0  }
0x14: {  	s2 =	sld [smem:$0x3F9D];
	s0 =	simm.s32 @p1 $0x1  }
0x15: {  	[smem:$0x3FBA] =	sst s0;
	s0 =	simm.s32 @!p2 $0x0  }
0x16: {  	s3 =	sld [smem:$0x3FDB];
	s0 =	simm.s32 @p2 $0x1  }
0x17: {  	s4 =	simm.s32 $0x1BF5;
	[smem:$0x3FBC] =	sst s0  }
0x18: {  	s0 =	sld [smem:$0x3F9F];
	_ =	swait.ge [sflag:s4], $0x0  }
0x19: {  	s7 =	sld [smem:$0x3FA0]  }
0x1a: {  	s8 =	sadd.s32 $0xFFFFE003, lr  }
0x1b: {  	s9 =	sadd.s32 $0xFFFFFEF7, lr;
	s5 =	simm.s32 $0xFFFFFFFF;
	p2 =	slt.u32 s8, $0xFFFFF086  }
0x1c: {  	p1 =	slt.u32 s9, $0xF7A;
	s5 =	simm.s32 @!p2 $0x0  }
0x1d: {  	s5 =	simm.s32 @p1 $0x1;
	p0 =	seq.s32 s7, s2  }
0x1e: {  	s7 =	smul.u32 @!p0 $0xF7A, s2;
	p2 =	seq.s32 @!p0 s5, $0x0  }
0x1f: {  	s9 =	smul.u32 $0xF7A, s1;
	s8 =	simm.s32 @!p0 $0x1BF5;
	p2 =	por !p2, p0  }
0x20: {  	[sflag:s8] =	ssyncset.s32 @!p0 $0xFFFFF086;
	s6 =	sadd.s32 @!p0 s3, s7;
	s7 =	simm.s32 @!p0 $0x108  }
0x21: {  	s3 =	sadd.s32 s3, s9;
	s6 =	sadd.s32 @!p0 $0x88, s6;
	s7 =	simm.s32 @p2 $0x1082  }
0x22: {  	[simem:s7], [sflag:s8] =	dma.local @!p0 [hbm:s6], $0xF7A  }
0x23: {  	s9 =	sor.u32 $0xD0000000, s2;
	s6 =	simm.s32 $0x108;
	_ =	swait.ge @!p0 [sflag:s8], $0x0  }
0x24: {  	s3 =	sadd.s32 $0x88, s3;
	s6 =	simm.s32 @!p1 $0x1082;
	[sflag:s4] =	ssyncset.s32 $0xFFFFF086  }
0x25: {  	[simem:s6], [sflag:s4] =	dma.local [hbm:s3], $0xF7A  }
0x26: {  	[smem:$0x3FA0] =	sst s1;
	(tag) =	ssettag s2;
	_ =	strace s9  }
0x27: {  	s1 =	sld [smem:$0x3FB0]  }
0x28: {  	s2 =	sld [smem:$0x3FB1]  }
0x29: {  	s4 =	sld [smem:$0x3FB3]  }
0x2a: {  	p0 =	seq.s32 s5, $0x0;
	s5 =	sld [smem:$0x3FB4]  }
0x2b: {  	s6 =	sld [smem:$0x3FB5]  }
0x2c: {  	s7 =	sld [smem:$0x3FB6]  }
0x2d: {  	s3 =	simm.s32 $0x108;
	s8 =	sld [smem:$0x3FB7]  }
0x2e: {  	s3 =	simm.s32 @!p0 $0x1082;
	s9 =	sld [smem:$0x3FB8]  }
0x2f: {  	lr =	sadd.s32 s0, s3;
	s0 =	sld [smem:$0x3FAF]  }
0x30: {  	s3 =	sld [smem:$0x3FB2]  }
0x31: {  	[smem:$0x3FBB] =	sst s10  }
0x32: {  	s10 =	sld [smem:$0x3FB9];
	_ =	sdelay $0x3  }
0x33: {  	p0 =	seq.s32 s10, $0x1;
	s10 =	sld [smem:$0x3FBB];
	_ =	sdelay $0x3  }
0x34: {  	[smem:$0x3FBB] =	sst s10  }
0x35: {  	s10 =	sld [smem:$0x3FBA];
	_ =	sdelay $0x3  }
0x36: {  	p1 =	seq.s32 s10, $0x1;
	s10 =	sld [smem:$0x3FBB];
	_ =	sdelay $0x3  }
0x37: {  	[smem:$0x3FBB] =	sst s10  }
0x38: {  	s10 =	sld [smem:$0x3FBC]  }
0x39: {  	_ = 	snop;
	(pc) =	sbr.ind lr, $3  }
0x3a: {  	_ = 	snop  }
0x3b: {  	_ = 	snop  }
0x3c: {  	p2 =	seq.s32 s10, $0x1;
	s10 =	sld [smem:$0x3FBB]  }
0x3d: {  	_ =	shalt  }
0x3e: {  	_ =	shalt  }
0x3f: {  	_ =	shalt  }
0x40: {  	_ =	shalt  }
0x41: {  	_ =	shalt  }
0x42: {  	_ =	shalt  }
0x43: {  	_ =	shalt  }
0x44: {  	_ =	shalt  }
0x45: {  	_ =	shalt  }
0x46: {  	_ =	shalt  }
0x47: {  	_ =	shalt  }
0x48: {  	_ =	shalt  }
0x49: {  	_ =	shalt  }
0x4a: {  	_ =	shalt  }
0x4b: {  	_ =	shalt  }
0x4c: {  	_ =	shalt  }
0x4d: {  	_ =	shalt  }
0x4e: {  	_ =	shalt  }
0x4f: {  	_ =	shalt  }
0x50: {  	_ =	shalt  }
0x51: {  	_ =	shalt  }
0x52: {  	_ =	shalt  }
0x53: {  	_ =	shalt  }
0x54: {  	_ =	shalt  }
0x55: {  	_ =	shalt  }
0x56: {  	_ =	shalt  }
0x57: {  	_ =	shalt  }
0x58: {  	_ =	shalt  }
0x59: {  	_ =	shalt  }
0x5a: {  	_ =	shalt  }
0x5b: {  	_ =	shalt  }
0x5c: {  	_ =	shalt  }
0x5d: {  	_ =	shalt  }
0x5e: {  	_ =	shalt  }
0x5f: {  	_ =	shalt  }
0x60: {  	_ =	shalt  }
0x61: {  	_ =	shalt  }
0x62: {  	_ =	shalt  }
0x63: {  	_ =	shalt  }
0x64: {  	_ =	shalt  }
0x65: {  	_ =	shalt  }
0x66: {  	_ =	shalt  }
0x67: {  	_ =	shalt  }
0x68: {  	_ =	shalt  }
0x69: {  	_ =	shalt  }
0x6a: {  	_ =	shalt  }
0x6b: {  	_ =	shalt  }
0x6c: {  	_ =	shalt  }
0x6d: {  	_ =	shalt  }
0x6e: {  	_ =	shalt  }
0x6f: {  	_ =	shalt  }
0x70: {  	_ =	shalt  }
0x71: {  	_ =	shalt  }
0x72: {  	_ =	shalt  }
0x73: {  	_ =	shalt  }
0x74: {  	_ =	shalt  }
0x75: {  	_ =	shalt  }
0x76: {  	_ =	shalt  }
0x77: {  	_ =	shalt  }
0x78: {  	_ =	shalt  }
0x79: {  	_ =	shalt  }
0x7a: {  	_ =	shalt  }
0x7b: {  	_ =	shalt  }
0x7c: {  	_ =	shalt  }
0x7d: {  	_ =	shalt  }
0x7e: {  	_ =	shalt  }
0x7f: {  	_ =	shalt  }
0x80: {  	_ =	shalt  }
0x81: {  	_ =	shalt  }
0x82: {  	_ =	shalt  }
0x83: {  	_ =	shalt  }
0x84: {  	_ =	shalt  }
0x85: {  	_ =	shalt  }
0x86: {  	_ =	shalt  }
0x87: {  	_ =	shalt  }
.Lfunc_end0:
.L_simem_size_0:
called_computation_lowered:
.L_overlay_start_0:
0x88: {  	s2 =	sld [smem:$0x3FD9]  }
0x89: {  	s3 =	sld [smem:$0x3FFE];
	_ =	sdelay $0x1  }
0x8a: {  	s1 =	srdreg.scid  }
0x8b: {  	s0 =	sand.u32 $0x1, s1  }
0x8c: {  	s18 =	sshll.u32 s0, $0xA;
	s2 =	sadd.s32 s3, s2  }
0x8d: {  	s2 =	sadd.s32 s2, s18  }
0x8e: {  	[smem:$0x3FC7] =	sst s2  }
0x8f: {  	_ = 	snop  }
0x90: {  	s2 =	sld [smem:$0x3FC9]  }
0x91: {  	s19 =	sld [smem:$0x3FD0];
	(tm) =	ssettm $0x1  }
0x92: {  	s4 =	sld [smem:$0x3FFB];
	_ =	sdelay $0x3  }
0x93: {  	_ =	strace s4  }
0x94: {  	s4 =	sld [smem:$0x3FFC];
	_ =	sdelay $0x3  }
0x95: {  	_ =	strace s4  }
0x96: {  	s4 =	sld [smem:$0x3FFD];
	_ =	sdelay $0x3  }
0x97: {  	_ =	strace s4  }
0x98: {  	_ =	strace $0x8FFFFFFF  }
0x99: {  	s20 =	sld [smem:$0x3FDB];
	_ =	sdelay $0x1  }
0x9a: {  	s5 =	simm.s32 $_scs_section_size  }
0x9b: {  	s6 =	simm.s32 $_size__tile_overlayer_lowered;
	s7 =	simm.s32 $_tile_overlayer_lowered  }
0x9c: {  	s23 =	simm.s32 $0x1BFF;
	s22 =	sshll.u32 s7, $0x1;
	s4 =	sadd.s32 s5, s20  }
0x9d: {  	s8 =	simm.s32 $0x0;
	s21 =	sshll.u32 s6, $0x1;
	s6 =	sadd.s32 s22, s4  }
0x9e: {  	[timem:s8], [sflag:s23] =	dma.local [hbm:s6], s21  }
0x9f: {  	_ =	swait.ge [sflag:s23], s21  }
0xa0: {  	s5 =	ssub.s32 $0x0, s21;
	[sflag:s23] =	ssyncset.done $0x0  }
0xa1: {  	[sflag:s23] =	ssyncadd.s32 s5;
	_ =	sdelay $0x1  }
0xa2: {  	s24 =	simm.s32 $0x1B8B  }
0xa3: {  	_ =	swait.ge [sflag:s24], $0x1  }
0xa4: {  	[sflag:s24] =	ssyncset.done $0x0  }
0xa5: {  	s25 =	simm.s32 $0x1B8E;
	[sflag:s24] =	ssyncadd.s32 $0xFFFFFFFF  }
0xa6: {  	s26 =	simm.s32 $execute0_lowered;
	[smem:$0x3FD2] =	sst s25  }
0xa7: {  	s5 =	sshll.u32 s26, $0x1;
	_ =	strace $0x80000046;
	[dreg:$0x1] =	wrdreg $0xFFFFFFFF  }
0xa8: {  	s28 =	simm.s32 $_size_execute0_lowered;
	s4 =	sadd.s32 s4, s5;
	[dreg:$0x0] =	wrdreg $0x0  }
0xa9: {  	s5 =	sshll.u32 s28, $0x1;
	[dreg:$0x2] =	wrdreg s4  }
0xaa: {  	[dreg:$0x3] =	wrdreg s5  }
0xab: {  	[dreg:$0x4] =	wrdreg $0xC0  }
0xac: {  	_ =	task [dreg:s8], $0x5FFFF  }
0xad: {  	[dreg:$0x1] =	wrdreg $0xFFFFFFFF  }
0xae: {  	[dreg:$0x0] =	wrdreg $0x60  }
0xaf: {  	[dreg:$0x2] =	wrdreg s2  }
0xb0: {  	[dreg:$0x3] =	wrdreg s19  }
0xb1: {  	[dreg:$0x4] =	wrdreg $0x9  }
0xb2: {  	_ =	task.clear_ibuf [dreg:s8], $0x5FFFF;
	_ =	strace $0x90000046  }
0xb3: {  	s29 =	simm.s32 $0x9;
	_ =	strace $0x80000048  }
0xb4: {  	_ =	swait.ge [sflag:s29], $0x1  }
0xb5: {  	[sflag:s29] =	ssyncadd.s32 $0xFFFFFFFF  }
0xb6: {  	_ =	strace $0x90000048  }
0xb7: {  	_ =	sfence  }
0xb8: {  	s30 =	sld [smem:$0x0];
	_ =	sdelay $0x2  }
0xb9: {  	s31 =	sshll.u32 s1, $0xD;
	s1 =	sshrl.u32 s1, $0x2  }
0xba: {  	s3 =	sand.u32 $0x4000, s31;
	s1 =	sadd.s32 s1, s30  }
0xbb: {  	s0 =	sor.u32 s3, s0;
	s1 =	sshll.u32 s1, $0x11  }
0xbc: {  	s0 =	sor.u32 s1, s0  }
0xbd: {  	s0 =	sadd.s32 $0x8F2B, s0  }
0xbe: {  	[sflag:s0] =	ssyncadd.remote.s32 $0x1  }
0xbf: {  	_ =	sfence.sel $0xFFFF  }
0xc0: {  	[dreg:$0x0] =	wrdreg $0xFFFFFFFF;
	(pc) =	sbr.abs _section_cstart, $3  }
0xc1: {  	[dreg:$0x1] =	wrdreg $0xFFFFFFFF  }
0xc2: {  	_ =	task.clear_ibuf [dreg:s8], $0x2FFFF;
	_ =	strace $0x9FFFFFFF  }
0xc3: {  	(tm) =	ssettm $0x7FFFFFFF  }
tec
execute0_lowered:
.L_overlay_start_1:
0x0: {  	(tag) =	ssettag $0x1  }
0x1: {  	s3 =	rddreg [dreg:$0x0]  }
0x2: {  	s4 =	rddreg [dreg:$0x1]  }
0x3: {  	s0 =	rddreg [dreg:$0x2];
	s2 =	simm.s32 $0x0;
	s5 =	srdreg.scid  }
0x4: {  	s1 =	stileid.u32;
	s9 =	simm.s32 $0x40000000;
	s10 =	simm.s32 $0x0  }
0x5: {  	[smem:$0x7FF] =	sst s2;
	s5 =	sand.u32 $0x1, s5;
	s7 =	sshll.u32 s1, $0xD  }
0x6: {  	s6 =	ssub.s32 $0x2, s5;
	s5 =	sshll.u32 s5, $0x6;
	_ =	strace $0x80000047  }
0x7: {  	s8 =	sshrl.u32 s6, $0x1;
	s5 =	sor.u32 s5, s7;
	s7 =	simm.s32 $0x400  }
0x8: {  	s6 =	ssub.s32 s6, s8;
	s3 =	sadd.s32 s3, s5;
	s4 =	sadd.s32 s4, s5  }
0x9: {  	v0 =	vimm.f32 $0.0e+00;
	v1 =	vimm.f32 $1.000000000e+00;
	s8 =	simm.s32 $0x1;
	s5 =	smax.u32 s6, $0x1;
	s6 =	simm.s32 $0x200  }
.LBB2_1:
0xa: {  	[tilespmem:s2], [sflag:$0x1] =	stream.strided.gather [hbm4b:s3+s6], $0x8000, s7, s6, $0x38;
	[tilespmem:$0x10000] =	vst v63  }
0xb: {  	_ =	swait.ge [sflag:s8], $0x8000  }
0xc: {  	s11 =	sand.u32 $0x70, s2;
	s12 =	sand.u32 $0x7E00, s2;
	[sflag:s8] =	ssyncset.done $0x0  }
0xd: {  	s12 =	sor.u32 s11, s12;
	[sflag:s8] =	ssyncadd.s32 $0xFFFF8000  }
0xe: {  	v2 =	vld [tilespmem:s12+$0x0];
	_ =	sdelay $0x2  }
0xf: {  	s31 =	simm.s32 $0x10;
	s13 =	simm.s32 $0x40  }
0x10: {  	s11 =	sand.u32 $0x70, s31;
	s14 =	sand.u32 $0x7E00, s13  }
0x11: {  	s11 =	sor.u32 s11, s14;
	v3 =	vadd.f32 $0.0e+00, v2  }
0x12: {  	v2 =	vld [tilespmem:s11+$0x0]  }
0x13: {  	v4 =	vxor.u32 $0x7FFFFFFF, v3;
	vm0 =	vlt.s32 v3, $0x0  }
0x14: {  	s14 =	simm.s32 $0x20;
	v3 =	vsel vm0, v4, v3  }
.LBB2_2:
0x15: {  	s15 =	sand.u32 $0x70, s14;
	s13 =	sadd.s32 $0x40, s13;
	[tilespmem:s12+$0x8000] =	vst v3;
	p0 =	sne.s32 s14, $0x1FF0  }
.Ltmp0:
0x16: {  	s14 =	sadd.s32 $0x10, s14;
	s16 =	sand.u32 $0x7E00, s13;
	(pc) =	sbr.rel @p0 .LBB2_2-.Ltmp0, $4  }
0x17: {  	s12 =	smov.u32 s11;
	v3 =	vadd.f32 $0.0e+00, v2;
	s11 =	sor.u32 s15, s16  }
0x18: {  	v2 =	vld [tilespmem:s11+$0x0]  }
0x19: {  	v4 =	vxor.u32 $0x7FFFFFFF, v3;
	vm0 =	vlt.s32 v3, $0x0  }
0x1a: {  	v3 =	vsel vm0, v4, v3  }
0x1b: {  	_ =	sdelay $0x1  }
0x1c: {  	v2 =	vadd.f32 $0.0e+00, v2;
	_ =	sdelay $0x1  }
0x1d: {  	s13 =	simm.s32 $0x0;
	v4 =	vxor.u32 $0x7FFFFFFF, v2;
	vm0 =	vlt.s32 v2, $0x0  }
0x1e: {  	[tilespmem:s12+$0x8000] =	vst v3;
	s30 =	sand.u32 $0x70, s13;
	s13 =	sand.u32 $0x7E00, s13;
	v2 =	vsel vm0, v4, v2  }
0x1f: {  	s12 =	sor.u32 s30, s13;
	[tilespmem:s11+$0x8000] =	vst v2  }
0x20: {  	v2 =	vld [tilespmem:s12+$0x80];
	_ =	sdelay $0x3  }
0x21: {  	s31 =	simm.s32 $0x10;
	s13 =	simm.s32 $0x40  }
0x22: {  	s14 =	sand.u32 $0x7E00, s13;
	s11 =	sand.u32 $0x70, s31;
	v3 =	vadd.f32 $0.0e+00, v2  }
0x23: {  	s14 =	sor.u32 s11, s14  }
0x24: {  	v2 =	vld [tilespmem:s14+$0x80];
	v4 =	vxor.u32 $0x7FFFFFFF, v3;
	vm15 =	vlt.s32 v3, $0x0  }
0x25: {  	s16 =	simm.s32 $0x20;
	s15 =	smov.u32 s12;
	v3 =	vsel vm15, v4, v3  }
.LBB2_4:
0x26: {  	s17 =	sand.u32 $0x70, s16  }
0x27: {  	s13 =	sadd.s32 $0x40, s13;
	[tilespmem:s15+$0x8080] =	vst v3;
	s15 =	smov.u32 s14;
	p0 =	sne.s32 s16, $0x1FF0  }
.Ltmp1:
0x28: {  	s16 =	sadd.s32 $0x10, s16;
	s14 =	sand.u32 $0x7E00, s13;
	(pc) =	sbr.rel @p0 .LBB2_4-.Ltmp1, $4  }
0x29: {  	s14 =	sor.u32 s17, s14;
	v3 =	vadd.f32 $0.0e+00, v2  }
0x2a: {  	v2 =	vld [tilespmem:s14+$0x80]  }
0x2b: {  	v4 =	vxor.u32 $0x7FFFFFFF, v3;
	vm0 =	vlt.s32 v3, $0x0  }
0x2c: {  	v3 =	vsel vm0, v4, v3  }
0x2d: {  	_ =	sdelay $0x1  }
0x2e: {  	v2 =	vadd.f32 $0.0e+00, v2;
	_ =	sdelay $0x1  }
0x2f: {  	v4 =	vxor.u32 $0x7FFFFFFF, v2;
	vm0 =	vlt.s32 v2, $0x0  }
0x30: {  	[tilespmem:s15+$0x8080] =	vst v3;
	v2 =	vsel vm0, v4, v2  }
0x31: {  	[tilespmem:s14+$0x8080] =	vst v2  }
0x32: {  	v2 =	vld [tilespmem:s12+$0x100];
	_ =	sdelay $0x2  }
0x33: {  	s14 =	simm.s32 $0x40  }
0x34: {  	s13 =	sand.u32 $0x7E00, s14  }
0x35: {  	s13 =	sor.u32 s11, s13;
	v3 =	vadd.f32 $0.0e+00, v2  }
0x36: {  	v2 =	vld [tilespmem:s13+$0x100]  }
0x37: {  	v4 =	vxor.u32 $0x7FFFFFFF, v3;
	vm15 =	vlt.s32 v3, $0x0  }
0x38: {  	s11 =	simm.s32 $0x20;
	v3 =	vsel vm15, v4, v3  }
.LBB2_6:
0x39: {  	s15 =	sand.u32 $0x70, s11;
	s14 =	sadd.s32 $0x40, s14;
	[tilespmem:s12+$0x8100] =	vst v3;
	p0 =	sne.s32 s11, $0x1FF0  }
.Ltmp2:
0x3a: {  	s11 =	sadd.s32 $0x10, s11;
	s16 =	sand.u32 $0x7E00, s14;
	(pc) =	sbr.rel @p0 .LBB2_6-.Ltmp2, $4  }
0x3b: {  	s12 =	smov.u32 s13;
	v3 =	vadd.f32 $0.0e+00, v2;
	s13 =	sor.u32 s15, s16  }
0x3c: {  	v2 =	vld [tilespmem:s13+$0x100]  }
0x3d: {  	v4 =	vxor.u32 $0x7FFFFFFF, v3;
	vm0 =	vlt.s32 v3, $0x0  }
0x3e: {  	v3 =	vsel vm0, v4, v3  }
0x3f: {  	_ =	sdelay $0x1  }
0x40: {  	v2 =	vadd.f32 $0.0e+00, v2;
	_ =	sdelay $0x1  }
0x41: {  	s11 =	simm.s32 $0x0;
	v4 =	vxor.u32 $0x7FFFFFFF, v2;
	vm0 =	vlt.s32 v2, $0x0  }
0x42: {  	[tilespmem:s12+$0x8100] =	vst v3;
	s30 =	sand.u32 $0x70, s11;
	s14 =	sand.u32 $0x7E00, s11;
	v2 =	vsel vm0, v4, v2  }
0x43: {  	s12 =	sor.u32 s30, s14;
	[tilespmem:s13+$0x8100] =	vst v2  }
0x44: {  	v2 =	vld [tilespmem:s12+$0x180];
	_ =	sdelay $0x3  }
0x45: {  	s31 =	simm.s32 $0x10;
	s13 =	simm.s32 $0x40  }
0x46: {  	s14 =	sand.u32 $0x70, s31;
	s15 =	sand.u32 $0x7E00, s13;
	v3 =	vadd.f32 $0.0e+00, v2  }
0x47: {  	s14 =	sor.u32 s14, s15  }
0x48: {  	v2 =	vld [tilespmem:s14+$0x180];
	v4 =	vxor.u32 $0x7FFFFFFF, v3;
	vm15 =	vlt.s32 v3, $0x0  }
0x49: {  	s15 =	simm.s32 $0x20;
	v3 =	vsel vm15, v4, v3  }
.LBB2_8:
0x4a: {  	s16 =	sand.u32 $0x70, s15  }
0x4b: {  	s13 =	sadd.s32 $0x40, s13;
	[tilespmem:s12+$0x8180] =	vst v3;
	s12 =	smov.u32 s14;
	p0 =	sne.s32 s15, $0x1FF0  }
.Ltmp3:
0x4c: {  	s15 =	sadd.s32 $0x10, s15;
	s14 =	sand.u32 $0x7E00, s13;
	(pc) =	sbr.rel @p0 .LBB2_8-.Ltmp3, $4  }
0x4d: {  	s14 =	sor.u32 s16, s14;
	v3 =	vadd.f32 $0.0e+00, v2  }
0x4e: {  	v2 =	vld [tilespmem:s14+$0x180]  }
0x4f: {  	v4 =	vxor.u32 $0x7FFFFFFF, v3;
	vm0 =	vlt.s32 v3, $0x0  }
0x50: {  	v3 =	vsel vm0, v4, v3  }
0x51: {  	_ =	sdelay $0x1  }
0x52: {  	v2 =	vadd.f32 $0.0e+00, v2;
	_ =	sdelay $0x1  }
0x53: {  	v4 =	vxor.u32 $0x7FFFFFFF, v2;
	vm0 =	vlt.s32 v2, $0x0  }
0x54: {  	[tilespmem:s12+$0x8180] =	vst v3;
	v2 =	vsel vm0, v4, v2  }
0x55: {  	[tilespmem:s14+$0x8180] =	vst v2  }
.LBB2_10:
0x56: {  	s12 =	sshll.u32 s11, $0x7  }
0x57: {  	s14 =	simm.s32 $0x0;
	s13 =	sand.u32 $0x3FFFFF80, s12  }
0x58: {  	s15 =	sand.u32 $0x7E00, s14;
	s13 =	sadd.s32 $0x8000, s13  }
0x59: {  	s14 =	sand.u32 $0x70, s14;
	s15 =	sadd.s32 s15, s13  }
0x5a: {  	s15 =	sadd.s32 s14, s15  }
0x5b: {  	v3 =	vld [tilespmem:s15+$0x0]  }
0x5c: {  	v2 =	vimm.f32 $0.0e+00;
	s14 =	simm.s32 $0x10;
	s15 =	simm.s32 $0x40  }
.LBB2_11:
0x5d: {  	s16 =	sand.u32 $0x7E00, s15  }
0x5e: {  	p0 =	sne.s32 s14, $0x1FF0;
	s17 =	smov.u32 s14;
	s14 =	sadd.s32 $0x10, s14  }
.Ltmp4:
0x5f: {  	s17 =	sand.u32 $0x70, s17;
	s16 =	sadd.s32 s16, s13;
	(pc) =	sbr.rel @p0 .LBB2_11-.Ltmp4, $4  }
0x60: {  	s16 =	sadd.s32 s17, s16;
	vm0 =	vgt.s32 v3, $0xFFFFFFFF  }
0x61: {  	v3 =	vld [tilespmem:s16+$0x0];
	v4 =	vsel vm0, $0x3F800000, v0  }
0x62: {  	v2 =	vadd.f32 v4, v2  }
0x63: {  	s15 =	sadd.s32 $0x40, s15  }
0x64: {  	_ =	sdelay $0x1  }
0x65: {  	vm0 =	vgt.s32 v3, $0xFFFFFFFF  }
0x66: {  	v3 =	vsel vm0, $0x3F800000, v0  }
0x67: {  	v2 =	vadd.f32 v3, v2;
	_ =	sdelay $0x1  }
0x68: {  	(xrf2) =	vadd.scan.msk.f32 $0xffff, v2;
	_ =	sdelay $0x9  }
0x69: {  	v2, _, _ =	vpop (xrf2)  }
0x6a: {  	(v2sf) =	vpush v2, $0xF;
	_ =	sdelay $0xe  }
0x6b: {  	s15 =	spop (v2sf)  }
0x6c: {  	p0 =	sge.f32 s15, $4.096000000e+03;
	_ =	sdelay $0x1  }
0x6d: {  	s15 =	simm.s32 @!p0 $0x46000000  }
0x6e: {  	p1 =	sgt.f32 s15, $4.096000000e+03  }
.Ltmp5:
0x6f: {  	_ = 	snop;
	(pc) =	sbr.rel @!p1 .LBB2_13-.Ltmp5, $3  }
0x70: {  	_ =	sdelay $0x1  }
0x71: {  	s14 =	simm.s32 $0x0  }
0x72: {  	s16 =	simm.s32 $0x0;
	s17 =	simm.s32 $0x0;
	s14 =	simm.s32 @!p0 $0x80000000  }
.LBB2_18:
0x73: {  	s18 =	sand.u32 $0x7E00, s16  }
0x74: {  	s20 =	sand.u32 $0x70, s16;
	s21 =	sadd.s32 s18, s13  }
0x75: {  	s19 =	sshrl.u32 s9, s17;
	s20 =	sadd.s32 s20, s21  }
0x76: {  	s18 =	sadd.s32 s19, s14;
	v4 =	vld [tilespmem:s20+$0x0]  }
0x77: {  	v2 =	vimm.f32 $0.0e+00;
	s19 =	simm.s32 $0x10;
	v3 =	vmov s18;
	s20 =	simm.s32 $0x40  }
.LBB2_19:
0x78: {  	s21 =	sand.u32 $0x7E00, s20  }
0x79: {  	p0 =	sne.s32 s19, $0x1FF0;
	s22 =	smov.u32 s19;
	s19 =	sadd.s32 $0x10, s19  }
.Ltmp6:
0x7a: {  	s22 =	sand.u32 $0x70, s22;
	s21 =	sadd.s32 s21, s13;
	(pc) =	sbr.rel @p0 .LBB2_19-.Ltmp6, $4  }
0x7b: {  	s21 =	sadd.s32 s22, s21;
	vm0 =	vlt.s32 v4, v3  }
0x7c: {  	v4 =	vld [tilespmem:s21+$0x0];
	v5 =	vsel vm0, $0x0, v1  }
0x7d: {  	v2 =	vadd.f32 v5, v2  }
0x7e: {  	s20 =	sadd.s32 $0x40, s20  }
0x7f: {  	_ =	sdelay $0x1  }
0x80: {  	vm0 =	vlt.s32 v4, v3  }
0x81: {  	v3 =	vsel vm0, $0x0, v1  }
0x82: {  	v2 =	vadd.f32 v3, v2;
	_ =	sdelay $0x1  }
0x83: {  	(xrf2) =	vadd.scan.msk.f32 $0xffff, v2;
	_ =	sdelay $0x9  }
0x84: {  	v2, _, _ =	vpop (xrf2)  }
0x85: {  	(v2sf) =	vpush v2, $0xF;
	_ =	sdelay $0xe  }
0x86: {  	s19 =	spop (v2sf)  }
0x87: {  	p1 =	sge.f32 s19, $4.096000000e+03;
	_ =	sdelay $0x1  }
0x88: {  	p0 =	sgt.u32 s17, $0x1D;
	s15 =	smov.u32 @p1 s19  }
0x89: {  	p2 =	sgt.f32 @!p0 s15, $4.096000000e+03;
	_ =	sdelay $0x1  }
0x8a: {  	p2 =	por p0, !p2  }
.Ltmp7:
0x8b: {  	_ = 	snop;
	(pc) =	sbr.rel @!p2 .LBB2_18-.Ltmp7, $2  }
0x8c: {  	_ =	sdelay $0x2  }
0x8d: {  	s17 =	sadd.s32 $0x1, s17;
	s14 =	smov.u32 @p1 s18  }
0x8e: {  	s14 =	smov.u32 @p0 s14  }
.LBB2_13:
0x8f: {  	s13 =	simm.s32 $0x0  }
0x90: {  	s31 =	sand.u32 $0x7E00, s13  }
0x91: {  	v2 =	vmov s14;
	s13 =	sand.u32 $0x70, s13;
	s14 =	sadd.s32 s12, s31  }
0x92: {  	s13 =	sor.u32 s13, s14  }
0x93: {  	v3 =	vld [tilespmem:s13+$0x8000]  }
0x94: {  	v4 =	vld [tilespmem:s13+$0x0];
	_ =	sdelay $0x1  }
0x95: {  	s14 =	simm.s32 $0x40  }
0x96: {  	s16 =	simm.s32 $0x10;
	s15 =	simm.s32 $0x20;
	s17 =	sand.u32 $0x7E00, s14  }
.LBB2_14:
0x97: {  	p0 =	sne.s32 s15, $0x1FF0;
	s16 =	sand.u32 $0x70, s16;
	s17 =	sadd.s32 s12, s17;
	vm0 =	vlt.s32 v3, v2  }
0x98: {  	s17 =	sor.u32 s16, s17;
	v4 =	vsel vm0, $0x0, v4;
	s16 =	smov.u32 s15  }
.Ltmp8:
0x99: {  	v3 =	vld [tilespmem:s17+$0x8000];
	[tilespmem:s13+$0x0] =	vst v4;
	s13 =	smov.u32 s17;
	(pc) =	sbr.rel @p0 .LBB2_14-.Ltmp8, $3  }
0x9a: {  	v4 =	vld [tilespmem:s13+$0x0];
	_ =	sdelay $0x1  }
0x9b: {  	s14 =	sadd.s32 $0x40, s14  }
0x9c: {  	s15 =	sadd.s32 $0x10, s15;
	s17 =	sand.u32 $0x7E00, s14  }
0x9d: {  	s14 =	sand.u32 $0x70, s16;
	s12 =	sadd.s32 s12, s17;
	vm0 =	vlt.s32 v3, v2  }
0x9e: {  	s12 =	sor.u32 s14, s12;
	v3 =	vsel vm0, $0x0, v4  }
0x9f: {  	v63 =	vld [tilespmem:s12+$0x8000];
	[tilespmem:s13+$0x0] =	vst v3  }
0xa0: {  	s11 =	sadd.s32 $0x1, s11;
	v3 =	vld [tilespmem:s12+$0x0]  }
0xa1: {  	p0 =	sne.s32 s11, $0x4  }
.Ltmp9:
0xa2: {  	_ = 	snop;
	(pc) =	sbr.rel @p0 .LBB2_10-.Ltmp9, $4  }
0xa3: {  	_ = 	snop  }
0xa4: {  	vm15 =	vlt.s32 v63, v2  }
0xa5: {  	v2 =	vsel vm15, $0x0, v3  }
0xa6: {  	[tilespmem:s12+$0x0] =	vst v2  }
0xa7: {  	s10 =	sadd.s32 $0x1, s10  }
0xa8: {  	p0 =	sne.s32 s10, s5  }
.Ltmp10:
0xa9: {  	_ = 	snop;
	(pc) =	sbr.rel @p0 .LBB2_1-.Ltmp10, $4  }
0xaa: {  	[hbm4b:s4+s6] =	stream.strided.scatter [tilespmem:s2], [sflag:$0x1], $0x8000, s7, s6, $0x38;
	[tilespmem:$0x10000] =	vst v63  }
0xab: {  	_ =	swait.ge [sflag:s8], $0x8000  }
0xac: {  	[sflag:s8] =	ssyncset.done $0x0  }
0xad: {  	[sflag:s8] =	ssyncadd.s32 $0xFFFF8000  }
0xae: {  	_ =	sfence.sel $0x180000  }
0xaf: {  	[bflag:$0x0] =	sbarrier.arrive $0xFFFF  }
0xb0: {  	p0 =	sne.s32 s1, $0x0;
	_ =	strace $0x90000047  }
0xb1: {  	s0 =	sadd.s32 @!p0 $0x100000, s0;
	[bflag:$0x2] =	sbarrier.arrive $0xFFFF  }
0xb2: {  	[sflag:s0] =	ssyncadd.tile.s32 @!p0 $0x1;
	_ =	shalt  }
.Lfunc_end2:
_tile_overlayer_lowered:
.L_overlay_start_2:
0xb3: {  	(tag) =	ssettag $0x2  }
0xb4: {  	s0 =	rddreg [dreg:$0x0];
	s2 =	stileid.u32  }
0xb5: {  	s1 =	rddreg [dreg:$0x1];
	p0 =	sne.s32 s2, $0x0  }
0xb6: {  	s3 =	rddreg [dreg:$0x2];
	[bflag:$0x3] =	sbarrier.arrive $0xFFFF;
	s2 =	simm.s32 @!p0 $0x1C02  }
0xb7: {  	[timem:s3], [sflag:s2] =	dma.local @!p0 [hbm:s0], s1  }
0xb8: {  	s0 =	simm.s32 @!p0 $0x2  }
0xb9: {  	_ =	swait.ge @!p0 [sflag:s0], s1  }
0xba: {  	s1 =	ssub.s32 @!p0 $0x0, s1;
	[sflag:s0] =	ssyncset.done @!p0 $0x0  }
0xbb: {  	[sflag:s0] =	ssyncadd.s32 @!p0 s1  }
0xbc: {  	[bflag:$0x3] =	sbarrier.arrive $0xFFFF  }
0xbd: {  	_ =	shalt  }

</sc_bundles>
